<compile_context>
chip_gen: v7x
topology: tpu7x:2x2x1
jax: 0.10.2.dev20260603
libtpu: 0.0.44.dev20260713+nightly
codegen_flags: <defaults>
</compile_context>

<pallas_src>
import jax
import jax.numpy as jnp
from jax import lax
from jax.experimental import pallas as pl
from jax.experimental.pallas import tpu as pltpu
from jax.experimental.pallas import tpu_sc as plsc

_B = 16384
_C = 1000
_K = 5
_BLK = 512

_NC, _NS, _L = 2, 16, 16
_NW = _NC * _NS
_RW = _B // _NW
_NIDX = _K * _RW



def _dense_kernel(x_ref, o_ref):
    x = x_ref[...]
    s = jnp.sum(jnp.maximum(x, 0.0) + jnp.log1p(jnp.exp(-jnp.abs(x))))
    lane = lax.broadcasted_iota(jnp.int32, (1, 1, 128), 2)
    o_ref[...] = jnp.where(lane == 0, s, 0.0)


def _dense_sum(x):
    parts = pl.pallas_call(
        _dense_kernel,
        grid=(_B // _BLK,),
        in_specs=[pl.BlockSpec((_BLK, _C), lambda i: (i, 0))],
        out_specs=pl.BlockSpec((1, 1, 128), lambda i: (i, 0, 0)),
        out_shape=jax.ShapeDtypeStruct((_B // _BLK, 1, 128), jnp.float32),
        compiler_params=pltpu.CompilerParams(
            dimension_semantics=("parallel",)),
    )(x)
    return jnp.sum(parts)



def _sc_gather_kernel(xf_hbm, yt_hbm, out_hbm, y_all_v, idx_v, wgt_v,
                      vals_v, acc_v):
    wid = lax.axis_index("s") * _NC + lax.axis_index("c")
    base = wid * _RW

    pltpu.sync_copy(yt_hbm.at[pl.ds(wid * _NIDX, _NIDX)], y_all_v)

    lanes = lax.iota(jnp.int32, _L)

    def build(i, carry):
        rows = (base + i * _L) + lanes
        ys = []
        for k in range(_K):
            yk = y_all_v[pl.ds(k * _RW + i * _L, _L)]
            valid = yk < _C
            for d in range(k):
                valid = valid & (yk != ys[d])
            ys.append(yk)
            pos = k * _RW + i * _L
            idx_v[pl.ds(pos, _L)] = rows * _C + jnp.minimum(yk, _C - 1)
            wgt_v[pl.ds(pos, _L)] = jnp.where(valid, 1.0, 0.0)
        return carry

    lax.fori_loop(0, _RW // _L, build, 0)

    pltpu.sync_copy(xf_hbm.at[idx_v], vals_v)

    def accum(j, acc):
        pos = j * _L
        return acc + vals_v[pl.ds(pos, _L)] * wgt_v[pl.ds(pos, _L)]

    acc_v[...] = lax.fori_loop(0, _NIDX // _L, accum,
                               jnp.zeros((_L,), jnp.float32))
    pltpu.sync_copy(acc_v, out_hbm.at[wid])


def _sc_gather_sum(x_flat, y_t):
    mesh = plsc.VectorSubcoreMesh(core_axis_name="c", subcore_axis_name="s")
    call = pl.kernel(
        _sc_gather_kernel,
        out_type=jax.ShapeDtypeStruct((_NW, _L), jnp.float32),
        mesh=mesh,
        scratch_types=[
            pltpu.VMEM((_NIDX,), jnp.int32),
            pltpu.VMEM((_NIDX,), jnp.int32),
            pltpu.VMEM((_NIDX,), jnp.float32),
            pltpu.VMEM((_NIDX,), jnp.float32),
            pltpu.VMEM((_L,), jnp.float32),
        ],
    )
    return call(x_flat, y_t)


def kernel(out, y_inds):
    y_arr = jnp.transpose(
        y_inds.astype(jnp.int32).reshape(_NW, _RW, _K),
        (0, 2, 1)).reshape(-1)
    partials = _sc_gather_sum(out.reshape(-1), y_arr)
    dense = _dense_sum(out)
    loss = (dense - jnp.sum(partials)) / (_B * _C)
    return loss.astype(out.dtype)

# --- scband reference (transcript-rebuilt; emitter-appended) ---
"""Pipeline reference for scband-ov-abceloss-33964601376804 (READ-ONLY COPY).

The authoritative reference and input builder live on the scoring server;
editing this copy changes nothing except your own understanding.
"""

import jax, jax.numpy as jnp
import numpy as np

B = 16384
C = 1000
K = 5

def setup_inputs(seed: int = 0) -> dict:
    key = jax.random.key(seed)
    k1, k2 = jax.random.split(key)
    out = jax.random.normal(k1, (B, C), dtype=jnp.float32)
    # label indices in [0, C]; value C acts as padding (scattered into extra column then dropped)
    y_inds = jax.random.randint(k2, (B, K), 0, C + 1, dtype=jnp.int64)
    return {"out": out, "y_inds": y_inds}

def reference(out, y_inds):
    Bv, Cv = out.shape
    rows = jnp.arange(Bv)[:, None]
    # torch scatter_(1, inds, 1) on zeros[B, C+1] -> overwrite with 1 at index positions, drop last col
    targets = jnp.zeros((Bv, Cv + 1), dtype=out.dtype).at[rows, y_inds].set(1.0)[:, :-1]
    # BCEWithLogitsLoss (mean reduction), numerically stable form:
    # max(x, 0) - x*z + log(1 + exp(-|x|))
    loss = jnp.mean(jnp.maximum(out, 0.0) - out * targets + jnp.log1p(jnp.exp(-jnp.abs(out))))
    return loss

if __name__ == "__main__":
    import jax
    _d = setup_inputs()
    print(jax.jit(kernel)(*tuple(_d.values())))

</pallas_src>

<mosaic_0001>
#map = affine_map<(d0, d1) -> (0)>
#map1 = affine_map<(d0, d1) -> (0, 0)>
module attributes {stable_mosaic.version = 14 : i64} {
  func.func @_sc_gather_kernel(%arg0: i32, %arg1: i32, %arg2: memref<16384000xf32, #tpu.memory_space<hbm>>, %arg3: memref<81920xi32, #tpu.memory_space<hbm>>, %arg4: memref<32x16xf32, #tpu.memory_space<hbm>>, %arg5: memref<2560xi32, #tpu.memory_space<vmem>>, %arg6: memref<2560xi32, #tpu.memory_space<vmem>>, %arg7: memref<2560xf32, #tpu.memory_space<vmem>>, %arg8: memref<2560xf32, #tpu.memory_space<vmem>>, %arg9: memref<16xf32, #tpu.memory_space<vmem>>) attributes {dimension_semantics = [#tpu.dimension_semantics<core_parallel>, #tpu.dimension_semantics<subcore_parallel>], iteration_bounds = array<i64: 2, 16>, scalar_prefetch = 0 : i64, scratch_operands = 5 : i64, tpu.core_type = #tpu.core_type<sc_vector_subcore>, window_params = [{transform_indices = #map}, {transform_indices = #map}, {transform_indices = #map1}]} {
    %mul3A = arith.constant 2 : i32
    %mul3A_0 = arith.muli %arg1, %mul3A : i32
    %add3A = arith.addi %mul3A_0, %arg0 : i32
    %mul3A_1 = arith.constant 512 : i32
    %mul3A_2 = arith.muli %add3A, %mul3A_1 : i32
    %mul3A_3 = arith.constant 2560 : i32
    %mul3A_4 = arith.muli %add3A, %mul3A_3 : i32
    "tpu.region"() ({
      %run_scoped3A = tpu.sem_alloc : memref<!tpu.dma_semaphore, #tpu.memory_space<semaphore_mem>>
      %dma_start3A = tpu.memref_slice %arg3[%mul3A_4] : memref<81920xi32, #tpu.memory_space<hbm>> -> memref<2560xi32, #tpu.memory_space<hbm>>
      %dma_start3A_20 = tpu.memref_slice %arg3[%mul3A_4] : memref<81920xi32, #tpu.memory_space<hbm>> -> memref<2560xi32, #tpu.memory_space<hbm>>
      tpu.enqueue_dma source(%dma_start3A_20 : memref<2560xi32, #tpu.memory_space<hbm>>) target(%arg5 : memref<2560xi32, #tpu.memory_space<vmem>>) target_semaphore(%run_scoped3A : memref<!tpu.dma_semaphore, #tpu.memory_space<semaphore_mem>>)
      %dma_wait3A = tpu.memref_slice %arg3[%mul3A_4] : memref<81920xi32, #tpu.memory_space<hbm>> -> memref<2560xi32, #tpu.memory_space<hbm>>
      %dma_wait3A_21 = tpu.memref_slice %arg3[%mul3A_4] : memref<81920xi32, #tpu.memory_space<hbm>> -> memref<2560xi32, #tpu.memory_space<hbm>>
      tpu.wait_dma2 semaphore(%run_scoped3A : memref<!tpu.dma_semaphore, #tpu.memory_space<semaphore_mem>>) src(%dma_wait3A_21 : memref<2560xi32, #tpu.memory_space<hbm>>) dst(%arg5 : memref<2560xi32, #tpu.memory_space<vmem>>)
      tpu.yield
    }) : () -> ()
    %iota3A = tpu.iota {dimensions = array<i32: 0>} : vector<16xi32>
    %scan3A = arith.constant 0 : i32
    %scan3A_5 = arith.constant 0 : i32
    %scan3A_6 = arith.constant 32 : i32
    %scan3A_7 = arith.addi %scan3A_5, %scan3A_6 : i32
    %scan3A_8 = arith.constant 1 : i32
    scf.for %scan3A_20 = %scan3A_5 to %scan3A_7 step %scan3A_8  : i32 {
      %mul3A_21 = arith.constant 16 : i32
      %mul3A_22 = arith.muli %scan3A_20, %mul3A_21 : i32
      %add3A_23 = arith.addi %mul3A_2, %mul3A_22 : i32
      %add3A_24 = vector.broadcast %add3A_23 : i32 to vector<16xi32>
      %add3A_25 = arith.addi %add3A_24, %iota3A : vector<16xi32>
      %mul3A_26 = arith.constant 16 : i32
      %mul3A_27 = arith.muli %scan3A_20, %mul3A_26 : i32
      %add3A_28 = arith.constant 0 : i32
      %add3A_29 = arith.addi %add3A_28, %mul3A_27 : i32
      %get3A = arith.index_cast %add3A_29 : i32 to index
      %get3A_30 = tpu.vector_load %arg5[%get3A] {strides = array<i32>} : memref<2560xi32, #tpu.memory_space<vmem>>, vector<16xi32>,
      %get3A_31 = vector.shape_cast %get3A_30 : vector<16xi32> to vector<16xi32>
      %lt3A = arith.constant 1000 : i32
      %lt3A_32 = vector.broadcast %lt3A : i32 to vector<16xi32>
      %lt3A_33 = arith.cmpi slt, %get3A_31, %lt3A_32 : vector<16xi32>
      %mul3A_34 = arith.constant 16 : i32
      %mul3A_35 = arith.muli %scan3A_20, %mul3A_34 : i32
      %add3A_36 = arith.constant 0 : i32
      %add3A_37 = arith.addi %add3A_36, %mul3A_35 : i32
      %mul3A_38 = arith.constant 1000 : i32
      %mul3A_39 = vector.broadcast %mul3A_38 : i32 to vector<16xi32>
      %mul3A_40 = arith.muli %add3A_25, %mul3A_39 : vector<16xi32>
      %min3A = arith.constant 999 : i32
      %min3A_41 = vector.broadcast %min3A : i32 to vector<16xi32>
      %min3A_42 = arith.minsi %get3A_31, %min3A_41 : vector<16xi32>
      %add3A_43 = arith.addi %mul3A_40, %min3A_42 : vector<16xi32>
      %swap3A_44 = arith.index_cast %add3A_37 : i32 to index
      %swap3A_45 = tpu.vector_load %arg6[%swap3A_44] {strides = array<i32>} : memref<2560xi32, #tpu.memory_space<vmem>>, vector<16xi32>,
      %swap3A_46 = vector.shape_cast %swap3A_45 : vector<16xi32> to vector<16xi32>
      %swap3A_47 = vector.shape_cast %add3A_43 : vector<16xi32> to vector<16xi32>
      tpu.vector_store %arg6[%swap3A_44], %swap3A_47 {strides = array<i32>} : memref<2560xi32, #tpu.memory_space<vmem>>, vector<16xi32>,
      %jit3A = arith.constant 1.000000e+00 : f32
      %jit3A_48 = arith.constant 0.000000e+00 : f32
      %broadcast_in_dim3A_49 = vector.broadcast %jit3A : f32 to vector<16xf32>
      %broadcast_in_dim3A_50 = vector.broadcast %jit3A_48 : f32 to vector<16xf32>
      %select_n3A = arith.select %lt3A_33, %broadcast_in_dim3A_49, %broadcast_in_dim3A_50 : vector<16xi1>, vector<16xf32>
      %swap3A_51 = arith.index_cast %add3A_37 : i32 to index
      %swap3A_52 = tpu.vector_load %arg7[%swap3A_51] {strides = array<i32>} : memref<2560xf32, #tpu.memory_space<vmem>>, vector<16xf32>,
      %swap3A_53 = vector.shape_cast %swap3A_52 : vector<16xf32> to vector<16xf32>
      %swap3A_54 = vector.shape_cast %select_n3A : vector<16xf32> to vector<16xf32>
      tpu.vector_store %arg7[%swap3A_51], %swap3A_54 {strides = array<i32>} : memref<2560xf32, #tpu.memory_space<vmem>>, vector<16xf32>,
      %mul3A_55 = arith.constant 16 : i32
      %mul3A_56 = arith.muli %scan3A_20, %mul3A_55 : i32
      %add3A_57 = arith.constant 512 : i32
      %add3A_58 = arith.addi %add3A_57, %mul3A_56 : i32
      %get3A_59 = arith.index_cast %add3A_58 : i32 to index
      %get3A_60 = tpu.vector_load %arg5[%get3A_59] {strides = array<i32>} : memref<2560xi32, #tpu.memory_space<vmem>>, vector<16xi32>,
      %get3A_61 = vector.shape_cast %get3A_60 : vector<16xi32> to vector<16xi32>
      %lt3A_62 = arith.constant 1000 : i32
      %lt3A_63 = vector.broadcast %lt3A_62 : i32 to vector<16xi32>
      %lt3A_64 = arith.cmpi slt, %get3A_61, %lt3A_63 : vector<16xi32>
      %ne3A = arith.cmpi ne, %get3A_61, %get3A_31 : vector<16xi32>
      %and3A = arith.andi %lt3A_64, %ne3A : vector<16xi1>
      %mul3A_65 = arith.constant 16 : i32
      %mul3A_66 = arith.muli %scan3A_20, %mul3A_65 : i32
      %add3A_67 = arith.constant 512 : i32
      %add3A_68 = arith.addi %add3A_67, %mul3A_66 : i32
      %mul3A_69 = arith.constant 1000 : i32
      %mul3A_70 = vector.broadcast %mul3A_69 : i32 to vector<16xi32>
      %mul3A_71 = arith.muli %add3A_25, %mul3A_70 : vector<16xi32>
      %min3A_72 = arith.constant 999 : i32
      %min3A_73 = vector.broadcast %min3A_72 : i32 to vector<16xi32>
      %min3A_74 = arith.minsi %get3A_61, %min3A_73 : vector<16xi32>
      %add3A_75 = arith.addi %mul3A_71, %min3A_74 : vector<16xi32>
      %swap3A_76 = arith.index_cast %add3A_68 : i32 to index
      %swap3A_77 = tpu.vector_load %arg6[%swap3A_76] {strides = array<i32>} : memref<2560xi32, #tpu.memory_space<vmem>>, vector<16xi32>,
      %swap3A_78 = vector.shape_cast %swap3A_77 : vector<16xi32> to vector<16xi32>
      %swap3A_79 = vector.shape_cast %add3A_75 : vector<16xi32> to vector<16xi32>
      tpu.vector_store %arg6[%swap3A_76], %swap3A_79 {strides = array<i32>} : memref<2560xi32, #tpu.memory_space<vmem>>, vector<16xi32>,
      %jit3A_80 = arith.constant 1.000000e+00 : f32
      %jit3A_81 = arith.constant 0.000000e+00 : f32
      %broadcast_in_dim3A_82 = vector.broadcast %jit3A_80 : f32 to vector<16xf32>
      %broadcast_in_dim3A_83 = vector.broadcast %jit3A_81 : f32 to vector<16xf32>
      %select_n3A_84 = arith.select %and3A, %broadcast_in_dim3A_82, %broadcast_in_dim3A_83 : vector<16xi1>, vector<16xf32>
      %swap3A_85 = arith.index_cast %add3A_68 : i32 to index
      %swap3A_86 = tpu.vector_load %arg7[%swap3A_85] {strides = array<i32>} : memref<2560xf32, #tpu.memory_space<vmem>>, vector<16xf32>,
      %swap3A_87 = vector.shape_cast %swap3A_86 : vector<16xf32> to vector<16xf32>
      %swap3A_88 = vector.shape_cast %select_n3A_84 : vector<16xf32> to vector<16xf32>
      tpu.vector_store %arg7[%swap3A_85], %swap3A_88 {strides = array<i32>} : memref<2560xf32, #tpu.memory_space<vmem>>, vector<16xf32>,
      %mul3A_89 = arith.constant 16 : i32
      %mul3A_90 = arith.muli %scan3A_20, %mul3A_89 : i32
      %add3A_91 = arith.constant 1024 : i32
      %add3A_92 = arith.addi %add3A_91, %mul3A_90 : i32
      %get3A_93 = arith.index_cast %add3A_92 : i32 to index
      %get3A_94 = tpu.vector_load %arg5[%get3A_93] {strides = array<i32>} : memref<2560xi32, #tpu.memory_space<vmem>>, vector<16xi32>,
      %get3A_95 = vector.shape_cast %get3A_94 : vector<16xi32> to vector<16xi32>
      %lt3A_96 = arith.constant 1000 : i32
      %lt3A_97 = vector.broadcast %lt3A_96 : i32 to vector<16xi32>
      %lt3A_98 = arith.cmpi slt, %get3A_95, %lt3A_97 : vector<16xi32>
      %ne3A_99 = arith.cmpi ne, %get3A_95, %get3A_31 : vector<16xi32>
      %and3A_100 = arith.andi %lt3A_98, %ne3A_99 : vector<16xi1>
      %ne3A_101 = arith.cmpi ne, %get3A_95, %get3A_61 : vector<16xi32>
      %and3A_102 = arith.andi %and3A_100, %ne3A_101 : vector<16xi1>
      %mul3A_103 = arith.constant 16 : i32
      %mul3A_104 = arith.muli %scan3A_20, %mul3A_103 : i32
      %add3A_105 = arith.constant 1024 : i32
      %add3A_106 = arith.addi %add3A_105, %mul3A_104 : i32
      %mul3A_107 = arith.constant 1000 : i32
      %mul3A_108 = vector.broadcast %mul3A_107 : i32 to vector<16xi32>
      %mul3A_109 = arith.muli %add3A_25, %mul3A_108 : vector<16xi32>
      %min3A_110 = arith.constant 999 : i32
      %min3A_111 = vector.broadcast %min3A_110 : i32 to vector<16xi32>
      %min3A_112 = arith.minsi %get3A_95, %min3A_111 : vector<16xi32>
      %add3A_113 = arith.addi %mul3A_109, %min3A_112 : vector<16xi32>
      %swap3A_114 = arith.index_cast %add3A_106 : i32 to index
      %swap3A_115 = tpu.vector_load %arg6[%swap3A_114] {strides = array<i32>} : memref<2560xi32, #tpu.memory_space<vmem>>, vector<16xi32>,
      %swap3A_116 = vector.shape_cast %swap3A_115 : vector<16xi32> to vector<16xi32>
      %swap3A_117 = vector.shape_cast %add3A_113 : vector<16xi32> to vector<16xi32>
      tpu.vector_store %arg6[%swap3A_114], %swap3A_117 {strides = array<i32>} : memref<2560xi32, #tpu.memory_space<vmem>>, vector<16xi32>,
      %jit3A_118 = arith.constant 1.000000e+00 : f32
      %jit3A_119 = arith.constant 0.000000e+00 : f32
      %broadcast_in_dim3A_120 = vector.broadcast %jit3A_118 : f32 to vector<16xf32>
      %broadcast_in_dim3A_121 = vector.broadcast %jit3A_119 : f32 to vector<16xf32>
      %select_n3A_122 = arith.select %and3A_102, %broadcast_in_dim3A_120, %broadcast_in_dim3A_121 : vector<16xi1>, vector<16xf32>
      %swap3A_123 = arith.index_cast %add3A_106 : i32 to index
      %swap3A_124 = tpu.vector_load %arg7[%swap3A_123] {strides = array<i32>} : memref<2560xf32, #tpu.memory_space<vmem>>, vector<16xf32>,
      %swap3A_125 = vector.shape_cast %swap3A_124 : vector<16xf32> to vector<16xf32>
      %swap3A_126 = vector.shape_cast %select_n3A_122 : vector<16xf32> to vector<16xf32>
      tpu.vector_store %arg7[%swap3A_123], %swap3A_126 {strides = array<i32>} : memref<2560xf32, #tpu.memory_space<vmem>>, vector<16xf32>,
      %mul3A_127 = arith.constant 16 : i32
      %mul3A_128 = arith.muli %scan3A_20, %mul3A_127 : i32
      %add3A_129 = arith.constant 1536 : i32
      %add3A_130 = arith.addi %add3A_129, %mul3A_128 : i32
      %get3A_131 = arith.index_cast %add3A_130 : i32 to index
      %get3A_132 = tpu.vector_load %arg5[%get3A_131] {strides = array<i32>} : memref<2560xi32, #tpu.memory_space<vmem>>, vector<16xi32>,
      %get3A_133 = vector.shape_cast %get3A_132 : vector<16xi32> to vector<16xi32>
      %lt3A_134 = arith.constant 1000 : i32
      %lt3A_135 = vector.broadcast %lt3A_134 : i32 to vector<16xi32>
      %lt3A_136 = arith.cmpi slt, %get3A_133, %lt3A_135 : vector<16xi32>
      %ne3A_137 = arith.cmpi ne, %get3A_133, %get3A_31 : vector<16xi32>
      %and3A_138 = arith.andi %lt3A_136, %ne3A_137 : vector<16xi1>
      %ne3A_139 = arith.cmpi ne, %get3A_133, %get3A_61 : vector<16xi32>
      %and3A_140 = arith.andi %and3A_138, %ne3A_139 : vector<16xi1>
      %ne3A_141 = arith.cmpi ne, %get3A_133, %get3A_95 : vector<16xi32>
      %and3A_142 = arith.andi %and3A_140, %ne3A_141 : vector<16xi1>
      %mul3A_143 = arith.constant 16 : i32
      %mul3A_144 = arith.muli %scan3A_20, %mul3A_143 : i32
      %add3A_145 = arith.constant 1536 : i32
      %add3A_146 = arith.addi %add3A_145, %mul3A_144 : i32
      %mul3A_147 = arith.constant 1000 : i32
      %mul3A_148 = vector.broadcast %mul3A_147 : i32 to vector<16xi32>
      %mul3A_149 = arith.muli %add3A_25, %mul3A_148 : vector<16xi32>
      %min3A_150 = arith.constant 999 : i32
      %min3A_151 = vector.broadcast %min3A_150 : i32 to vector<16xi32>
      %min3A_152 = arith.minsi %get3A_133, %min3A_151 : vector<16xi32>
      %add3A_153 = arith.addi %mul3A_149, %min3A_152 : vector<16xi32>
      %swap3A_154 = arith.index_cast %add3A_146 : i32 to index
      %swap3A_155 = tpu.vector_load %arg6[%swap3A_154] {strides = array<i32>} : memref<2560xi32, #tpu.memory_space<vmem>>, vector<16xi32>,
      %swap3A_156 = vector.shape_cast %swap3A_155 : vector<16xi32> to vector<16xi32>
      %swap3A_157 = vector.shape_cast %add3A_153 : vector<16xi32> to vector<16xi32>
      tpu.vector_store %arg6[%swap3A_154], %swap3A_157 {strides = array<i32>} : memref<2560xi32, #tpu.memory_space<vmem>>, vector<16xi32>,
      %jit3A_158 = arith.constant 1.000000e+00 : f32
      %jit3A_159 = arith.constant 0.000000e+00 : f32
      %broadcast_in_dim3A_160 = vector.broadcast %jit3A_158 : f32 to vector<16xf32>
      %broadcast_in_dim3A_161 = vector.broadcast %jit3A_159 : f32 to vector<16xf32>
      %select_n3A_162 = arith.select %and3A_142, %broadcast_in_dim3A_160, %broadcast_in_dim3A_161 : vector<16xi1>, vector<16xf32>
      %swap3A_163 = arith.index_cast %add3A_146 : i32 to index
      %swap3A_164 = tpu.vector_load %arg7[%swap3A_163] {strides = array<i32>} : memref<2560xf32, #tpu.memory_space<vmem>>, vector<16xf32>,
      %swap3A_165 = vector.shape_cast %swap3A_164 : vector<16xf32> to vector<16xf32>
      %swap3A_166 = vector.shape_cast %select_n3A_162 : vector<16xf32> to vector<16xf32>
      tpu.vector_store %arg7[%swap3A_163], %swap3A_166 {strides = array<i32>} : memref<2560xf32, #tpu.memory_space<vmem>>, vector<16xf32>,
      %mul3A_167 = arith.constant 16 : i32
      %mul3A_168 = arith.muli %scan3A_20, %mul3A_167 : i32
      %add3A_169 = arith.constant 2048 : i32
      %add3A_170 = arith.addi %add3A_169, %mul3A_168 : i32
      %get3A_171 = arith.index_cast %add3A_170 : i32 to index
      %get3A_172 = tpu.vector_load %arg5[%get3A_171] {strides = array<i32>} : memref<2560xi32, #tpu.memory_space<vmem>>, vector<16xi32>,
      %get3A_173 = vector.shape_cast %get3A_172 : vector<16xi32> to vector<16xi32>
      %lt3A_174 = arith.constant 1000 : i32
      %lt3A_175 = vector.broadcast %lt3A_174 : i32 to vector<16xi32>
      %lt3A_176 = arith.cmpi slt, %get3A_173, %lt3A_175 : vector<16xi32>
      %ne3A_177 = arith.cmpi ne, %get3A_173, %get3A_31 : vector<16xi32>
      %and3A_178 = arith.andi %lt3A_176, %ne3A_177 : vector<16xi1>
      %ne3A_179 = arith.cmpi ne, %get3A_173, %get3A_61 : vector<16xi32>
      %and3A_180 = arith.andi %and3A_178, %ne3A_179 : vector<16xi1>
      %ne3A_181 = arith.cmpi ne, %get3A_173, %get3A_95 : vector<16xi32>
      %and3A_182 = arith.andi %and3A_180, %ne3A_181 : vector<16xi1>
      %ne3A_183 = arith.cmpi ne, %get3A_173, %get3A_133 : vector<16xi32>
      %and3A_184 = arith.andi %and3A_182, %ne3A_183 : vector<16xi1>
      %mul3A_185 = arith.constant 16 : i32
      %mul3A_186 = arith.muli %scan3A_20, %mul3A_185 : i32
      %add3A_187 = arith.constant 2048 : i32
      %add3A_188 = arith.addi %add3A_187, %mul3A_186 : i32
      %mul3A_189 = arith.constant 1000 : i32
      %mul3A_190 = vector.broadcast %mul3A_189 : i32 to vector<16xi32>
      %mul3A_191 = arith.muli %add3A_25, %mul3A_190 : vector<16xi32>
      %min3A_192 = arith.constant 999 : i32
      %min3A_193 = vector.broadcast %min3A_192 : i32 to vector<16xi32>
      %min3A_194 = arith.minsi %get3A_173, %min3A_193 : vector<16xi32>
      %add3A_195 = arith.addi %mul3A_191, %min3A_194 : vector<16xi32>
      %swap3A_196 = arith.index_cast %add3A_188 : i32 to index
      %swap3A_197 = tpu.vector_load %arg6[%swap3A_196] {strides = array<i32>} : memref<2560xi32, #tpu.memory_space<vmem>>, vector<16xi32>,
      %swap3A_198 = vector.shape_cast %swap3A_197 : vector<16xi32> to vector<16xi32>
      %swap3A_199 = vector.shape_cast %add3A_195 : vector<16xi32> to vector<16xi32>
      tpu.vector_store %arg6[%swap3A_196], %swap3A_199 {strides = array<i32>} : memref<2560xi32, #tpu.memory_space<vmem>>, vector<16xi32>,
      %jit3A_200 = arith.constant 1.000000e+00 : f32
      %jit3A_201 = arith.constant 0.000000e+00 : f32
      %broadcast_in_dim3A_202 = vector.broadcast %jit3A_200 : f32 to vector<16xf32>
      %broadcast_in_dim3A_203 = vector.broadcast %jit3A_201 : f32 to vector<16xf32>
      %select_n3A_204 = arith.select %and3A_184, %broadcast_in_dim3A_202, %broadcast_in_dim3A_203 : vector<16xi1>, vector<16xf32>
      %swap3A_205 = arith.index_cast %add3A_188 : i32 to index
      %swap3A_206 = tpu.vector_load %arg7[%swap3A_205] {strides = array<i32>} : memref<2560xf32, #tpu.memory_space<vmem>>, vector<16xf32>,
      %swap3A_207 = vector.shape_cast %swap3A_206 : vector<16xf32> to vector<16xf32>
      %swap3A_208 = vector.shape_cast %select_n3A_204 : vector<16xf32> to vector<16xf32>
      tpu.vector_store %arg7[%swap3A_205], %swap3A_208 {strides = array<i32>} : memref<2560xf32, #tpu.memory_space<vmem>>, vector<16xf32>,
    }
    %scan3A_9 = arith.constant 32 : i32
    "tpu.region"() ({
      %run_scoped3A = tpu.sem_alloc : memref<!tpu.dma_semaphore, #tpu.memory_space<semaphore_mem>>
      %dma_start3A = arith.constant 0 : i32
      %dma_start3A_20 = tpu.memref_slice %arg2[%dma_start3A] : memref<16384000xf32, #tpu.memory_space<hbm>> -> memref<16384000xf32, #tpu.memory_space<hbm>>
      tpu.enqueue_indirect_dma source(%dma_start3A_20 : memref<16384000xf32, #tpu.memory_space<hbm>>) target(%arg8 : memref<2560xf32, #tpu.memory_space<vmem>>) offsets(%arg6 : memref<2560xi32, #tpu.memory_space<vmem>>) semaphore(%run_scoped3A : memref<!tpu.dma_semaphore, #tpu.memory_space<semaphore_mem>>)
      %dma_wait3A = arith.constant 0 : i32
      %dma_wait3A_21 = tpu.memref_slice %arg2[%dma_wait3A] : memref<16384000xf32, #tpu.memory_space<hbm>> -> memref<16384000xf32, #tpu.memory_space<hbm>>
      tpu.wait_indirect_dma semaphore(%run_scoped3A : memref<!tpu.dma_semaphore, #tpu.memory_space<semaphore_mem>>) src(%dma_wait3A_21 : memref<16384000xf32, #tpu.memory_space<hbm>>) dst(%arg8 : memref<2560xf32, #tpu.memory_space<vmem>>)
      tpu.yield
    }) : () -> ()
    %broadcast_in_dim3A = arith.constant 0.000000e+00 : f32
    %broadcast_in_dim3A_10 = vector.broadcast %broadcast_in_dim3A : f32 to vector<16xf32>
    %scan3A_11 = arith.constant 0 : i32
    %scan3A_12 = arith.constant 160 : i32
    %scan3A_13 = arith.addi %scan3A_11, %scan3A_12 : i32
    %scan3A_14 = arith.constant 1 : i32
    %scan3A_15 = scf.for %scan3A_20 = %scan3A_11 to %scan3A_13 step %scan3A_14 iter_args(%scan3A_21 = %broadcast_in_dim3A_10) -> (vector<16xf32>)  : i32 {
      %mul3A_22 = arith.constant 16 : i32
      %mul3A_23 = arith.muli %scan3A_20, %mul3A_22 : i32
      %get3A = arith.index_cast %mul3A_23 : i32 to index
      %get3A_24 = tpu.vector_load %arg8[%get3A] {strides = array<i32>} : memref<2560xf32, #tpu.memory_space<vmem>>, vector<16xf32>,
      %get3A_25 = vector.shape_cast %get3A_24 : vector<16xf32> to vector<16xf32>
      %get3A_26 = arith.index_cast %mul3A_23 : i32 to index
      %get3A_27 = tpu.vector_load %arg7[%get3A_26] {strides = array<i32>} : memref<2560xf32, #tpu.memory_space<vmem>>, vector<16xf32>,
      %get3A_28 = vector.shape_cast %get3A_27 : vector<16xf32> to vector<16xf32>
      %mul3A_29 = arith.mulf %get3A_25, %get3A_28 : vector<16xf32>
      %add3A_30 = arith.addf %scan3A_21, %mul3A_29 : vector<16xf32>
      scf.yield %add3A_30 : vector<16xf32>
    }
    %scan3A_16 = arith.constant 160 : i32
    %swap3A = arith.constant 0 : index
    %swap3A_17 = tpu.vector_load %arg9[%swap3A] {strides = array<i32>} : memref<16xf32, #tpu.memory_space<vmem>>, vector<16xf32>,
    %swap3A_18 = vector.shape_cast %swap3A_17 : vector<16xf32> to vector<16xf32>
    %swap3A_19 = vector.shape_cast %scan3A_15 : vector<16xf32> to vector<16xf32>
    tpu.vector_store %arg9[%swap3A], %swap3A_19 {strides = array<i32>} : memref<16xf32, #tpu.memory_space<vmem>>, vector<16xf32>,
    "tpu.region"() ({
      %run_scoped3A = tpu.sem_alloc : memref<!tpu.dma_semaphore, #tpu.memory_space<semaphore_mem>>
      %dma_start3A = arith.constant 0 : i32
      %dma_start3A_20 = tpu.memref_slice %arg4[%add3A, %dma_start3A] : memref<32x16xf32, #tpu.memory_space<hbm>> -> memref<1x16xf32, #tpu.memory_space<hbm>>
      %dma_start3A_21 = tpu.memref_squeeze %dma_start3A_20 : memref<1x16xf32, #tpu.memory_space<hbm>> -> memref<16xf32, #tpu.memory_space<hbm>>
      %dma_start3A_22 = arith.constant 0 : i32
      %dma_start3A_23 = tpu.memref_slice %arg4[%add3A, %dma_start3A_22] : memref<32x16xf32, #tpu.memory_space<hbm>> -> memref<1x16xf32, #tpu.memory_space<hbm>>
      %dma_start3A_24 = tpu.memref_squeeze %dma_start3A_23 : memref<1x16xf32, #tpu.memory_space<hbm>> -> memref<16xf32, #tpu.memory_space<hbm>>
      tpu.enqueue_dma source(%arg9 : memref<16xf32, #tpu.memory_space<vmem>>) target(%dma_start3A_24 : memref<16xf32, #tpu.memory_space<hbm>>) target_semaphore(%run_scoped3A : memref<!tpu.dma_semaphore, #tpu.memory_space<semaphore_mem>>)
      %dma_wait3A = arith.constant 0 : i32
      %dma_wait3A_25 = tpu.memref_slice %arg4[%add3A, %dma_wait3A] : memref<32x16xf32, #tpu.memory_space<hbm>> -> memref<1x16xf32, #tpu.memory_space<hbm>>
      %dma_wait3A_26 = tpu.memref_squeeze %dma_wait3A_25 : memref<1x16xf32, #tpu.memory_space<hbm>> -> memref<16xf32, #tpu.memory_space<hbm>>
      %dma_wait3A_27 = arith.constant 0 : i32
      %dma_wait3A_28 = tpu.memref_slice %arg4[%add3A, %dma_wait3A_27] : memref<32x16xf32, #tpu.memory_space<hbm>> -> memref<1x16xf32, #tpu.memory_space<hbm>>
      %dma_wait3A_29 = tpu.memref_squeeze %dma_wait3A_28 : memref<1x16xf32, #tpu.memory_space<hbm>> -> memref<16xf32, #tpu.memory_space<hbm>>
      tpu.wait_dma2 semaphore(%run_scoped3A : memref<!tpu.dma_semaphore, #tpu.memory_space<semaphore_mem>>) src(%arg9 : memref<16xf32, #tpu.memory_space<vmem>>) dst(%dma_wait3A_29 : memref<16xf32, #tpu.memory_space<hbm>>)
      tpu.yield
    }) : () -> ()
    return
  }
}

module attributes {stable_mosaic.version = 14 : i64} {
  func.func @_dense_kernel(%arg0: i32, %arg1: memref<512x1000xf32, #tpu.memory_space<vmem>>, %arg2: memref<1x1x128xf32, #tpu.memory_space<vmem>>) attributes {dimension_semantics = [#tpu.dimension_semantics<parallel>], iteration_bounds = array<i64: 32>, scalar_prefetch = 0 : i64, scratch_operands = 0 : i64, tpu.core_type = #tpu.core_type<tc>, window_params = [{transform_indices = @transform_0, window_bounds = array<i64: 512, 1000>}, {transform_indices = @transform_1, window_bounds = array<i64: 1, 1, 128>}]} {
    %get3A = arith.constant 0 : index
    %get3A_0 = arith.constant 0 : index
    %get3A_1 = vector.load %arg1[%get3A, %get3A_0] : memref<512x1000xf32, #tpu.memory_space<vmem>>, vector<512x1000xf32>
    %max3A = arith.constant 0.000000e+00 : f32
    %max3A_2 = vector.broadcast %max3A : f32 to vector<512x1000xf32>
    %max3A_3 = arith.maximumf %get3A_1, %max3A_2 : vector<512x1000xf32>
    %abs3A = math.absf %get3A_1 : vector<512x1000xf32>
    %neg3A = arith.constant 0.000000e+00 : f32
    %neg3A_4 = vector.broadcast %neg3A : f32 to vector<512x1000xf32>
    %neg3A_5 = arith.subf %neg3A_4, %abs3A : vector<512x1000xf32>
    %exp3A = math.exp %neg3A_5 : vector<512x1000xf32>
    %log1p3A = math.log1p %exp3A : vector<512x1000xf32>
    %add3A = arith.addf %max3A_3, %log1p3A : vector<512x1000xf32>
    %reduce_sum3A = vector.shape_cast %add3A : vector<512x1000xf32> to vector<1x512x1000xf32>
    %reduce_sum3A_6 = arith.constant dense<0.000000e+00> : vector<1xf32>
    %reduce_sum3A_7 = vector.multi_reduction <add>, %reduce_sum3A, %reduce_sum3A_6 [1, 2] : vector<1x512x1000xf32> to vector<1xf32>
    %reduce_sum3A_8 = vector.shape_cast %reduce_sum3A_7 : vector<1xf32> to vector<1x1x1xf32>
    %reduce_sum3A_9 = vector.extract %reduce_sum3A_8[0, 0, 0] : f32 from vector<1x1x1xf32>
    %iota3A = tpu.iota {dimensions = array<i32: 2>} : vector<1x1x128xi32>
    %eq3A = arith.constant 0 : i32
    %eq3A_10 = vector.broadcast %eq3A : i32 to vector<1x1x128xi32>
    %eq3A_11 = arith.cmpi eq, %iota3A, %eq3A_10 : vector<1x1x128xi32>
    %jit3A = arith.constant 0.000000e+00 : f32
    %broadcast_in_dim3A = vector.broadcast %reduce_sum3A_9 : f32 to vector<1x1x128xf32>
    %broadcast_in_dim3A_12 = vector.broadcast %jit3A : f32 to vector<1x1x128xf32>
    %select_n3A = arith.select %eq3A_11, %broadcast_in_dim3A, %broadcast_in_dim3A_12 : vector<1x1x128xi1>, vector<1x1x128xf32>
    %swap3A = arith.constant 0 : index
    %swap3A_13 = arith.constant 0 : index
    %swap3A_14 = arith.constant 0 : index
    %swap3A_15 = vector.load %arg2[%swap3A, %swap3A_13, %swap3A_14] : memref<1x1x128xf32, #tpu.memory_space<vmem>>, vector<1x1x128xf32>
    tpu.vector_store %arg2[%swap3A, %swap3A_13, %swap3A_14], %select_n3A {strides = array<i32>} : memref<1x1x128xf32, #tpu.memory_space<vmem>>, vector<1x1x128xf32>,
    return
  }
  func.func @transform_0(%arg0: i32) -> (i32, i32) {
    %c0_i32 = arith.constant 0 : i32
    %c0_i32_0 = arith.constant 0 : i32
    return %arg0, %c0_i32 : i32, i32
  }
  func.func @transform_1(%arg0: i32) -> (i32, i32, i32) {
    %c0_i32 = arith.constant 0 : i32
    %c0_i32_0 = arith.constant 0 : i32
    %c0_i32_1 = arith.constant 0 : i32
    return %arg0, %c0_i32, %c0_i32_0 : i32, i32, i32
  }
}

</mosaic_0001>

<sc_bundles>
// kernel: kernel.4.cloned.1.call-start
scs
__scs_entry_jumppad:
0x0: {  	(pc) =	sbr.rel $0x88, $3  }
0x1: {  	(tag) =	ssettag $0x0;
	lr =	simm.s32 $0x1  }
0x2: {  	[smem:$0x3F9F] =	sst lr;
	_ =	strace $0xD0000000  }
0x3: {  	_ = 	snop  }
0x4: {  	_ = 	snop  }
0x5: {  	_ = 	snop  }
0x6: {  	_ = 	snop  }
0x7: {  	_ = 	snop  }
__scs_overlays_trampoline_lowered:
0x8: {  	[smem:$0x3FAE] =	sst s0  }
0x9: {  	[smem:$0x3FAF] =	sst s1  }
0xa: {  	[smem:$0x3FB0] =	sst s2  }
0xb: {  	[smem:$0x3FB1] =	sst s3  }
0xc: {  	[smem:$0x3FB2] =	sst s4  }
0xd: {  	[smem:$0x3FB3] =	sst s5  }
0xe: {  	[smem:$0x3FB4] =	sst s6  }
0xf: {  	[smem:$0x3FB5] =	sst s7  }
0x10: {  	[smem:$0x3FB6] =	sst s8  }
0x11: {  	[smem:$0x3FB7] =	sst s9;
	s0 =	simm.s32 @!p0 $0x0  }
0x12: {  	s1 =	sld [smem:$0x3F9D];
	s0 =	simm.s32 @p0 $0x1  }
0x13: {  	[smem:$0x3FB8] =	sst s0;
	s0 =	simm.s32 @!p1 $0x0  }
0x14: {  	s2 =	sld [smem:$0x3F9C];
	s0 =	simm.s32 @p1 $0x1  }
0x15: {  	[smem:$0x3FB9] =	sst s0;
	s0 =	simm.s32 @!p2 $0x0  }
0x16: {  	s3 =	sld [smem:$0x3FDB];
	s0 =	simm.s32 @p2 $0x1  }
0x17: {  	s4 =	simm.s32 $0x1BF5;
	[smem:$0x3FBB] =	sst s0  }
0x18: {  	s0 =	sld [smem:$0x3F9E];
	_ =	swait.ge [sflag:s4], $0x0  }
0x19: {  	s7 =	sld [smem:$0x3F9F]  }
0x1a: {  	s8 =	sadd.s32 $0xFFFFE003, lr  }
0x1b: {  	s9 =	sadd.s32 $0xFFFFFEF7, lr;
	s5 =	simm.s32 $0xFFFFFFFF;
	p2 =	slt.u32 s8, $0xFFFFF086  }
0x1c: {  	p1 =	slt.u32 s9, $0xF7A;
	s5 =	simm.s32 @!p2 $0x0  }
0x1d: {  	s5 =	simm.s32 @p1 $0x1;
	p0 =	seq.s32 s7, s2  }
0x1e: {  	s7 =	smul.u32 @!p0 $0xF7A, s2;
	p2 =	seq.s32 @!p0 s5, $0x0  }
0x1f: {  	s9 =	smul.u32 $0xF7A, s1;
	s8 =	simm.s32 @!p0 $0x1BF5;
	p2 =	por !p2, p0  }
0x20: {  	[sflag:s8] =	ssyncset.s32 @!p0 $0xFFFFF086;
	s6 =	sadd.s32 @!p0 s3, s7;
	s7 =	simm.s32 @!p0 $0x108  }
0x21: {  	s3 =	sadd.s32 s3, s9;
	s6 =	sadd.s32 @!p0 $0x88, s6;
	s7 =	simm.s32 @p2 $0x1082  }
0x22: {  	[simem:s7], [sflag:s8] =	dma.local @!p0 [hbm:s6], $0xF7A  }
0x23: {  	s9 =	sor.u32 $0xD0000000, s2;
	s6 =	simm.s32 $0x108;
	_ =	swait.ge @!p0 [sflag:s8], $0x0  }
0x24: {  	s3 =	sadd.s32 $0x88, s3;
	s6 =	simm.s32 @!p1 $0x1082;
	[sflag:s4] =	ssyncset.s32 $0xFFFFF086  }
0x25: {  	[simem:s6], [sflag:s4] =	dma.local [hbm:s3], $0xF7A  }
0x26: {  	[smem:$0x3F9F] =	sst s1;
	(tag) =	ssettag s2;
	_ =	strace s9  }
0x27: {  	s1 =	sld [smem:$0x3FAF]  }
0x28: {  	s2 =	sld [smem:$0x3FB0]  }
0x29: {  	s4 =	sld [smem:$0x3FB2]  }
0x2a: {  	p0 =	seq.s32 s5, $0x0;
	s5 =	sld [smem:$0x3FB3]  }
0x2b: {  	s6 =	sld [smem:$0x3FB4]  }
0x2c: {  	s7 =	sld [smem:$0x3FB5]  }
0x2d: {  	s3 =	simm.s32 $0x108;
	s8 =	sld [smem:$0x3FB6]  }
0x2e: {  	s3 =	simm.s32 @!p0 $0x1082;
	s9 =	sld [smem:$0x3FB7]  }
0x2f: {  	lr =	sadd.s32 s0, s3;
	s0 =	sld [smem:$0x3FAE]  }
0x30: {  	s3 =	sld [smem:$0x3FB1]  }
0x31: {  	[smem:$0x3FBA] =	sst s10  }
0x32: {  	s10 =	sld [smem:$0x3FB8];
	_ =	sdelay $0x3  }
0x33: {  	p0 =	seq.s32 s10, $0x1;
	s10 =	sld [smem:$0x3FBA];
	_ =	sdelay $0x3  }
0x34: {  	[smem:$0x3FBA] =	sst s10  }
0x35: {  	s10 =	sld [smem:$0x3FB9];
	_ =	sdelay $0x3  }
0x36: {  	p1 =	seq.s32 s10, $0x1;
	s10 =	sld [smem:$0x3FBA];
	_ =	sdelay $0x3  }
0x37: {  	[smem:$0x3FBA] =	sst s10  }
0x38: {  	s10 =	sld [smem:$0x3FBB]  }
0x39: {  	_ = 	snop;
	(pc) =	sbr.ind lr, $3  }
0x3a: {  	_ = 	snop  }
0x3b: {  	_ = 	snop  }
0x3c: {  	p2 =	seq.s32 s10, $0x1;
	s10 =	sld [smem:$0x3FBA]  }
0x3d: {  	_ =	shalt  }
0x3e: {  	_ =	shalt  }
0x3f: {  	_ =	shalt  }
0x40: {  	_ =	shalt  }
0x41: {  	_ =	shalt  }
0x42: {  	_ =	shalt  }
0x43: {  	_ =	shalt  }
0x44: {  	_ =	shalt  }
0x45: {  	_ =	shalt  }
0x46: {  	_ =	shalt  }
0x47: {  	_ =	shalt  }
0x48: {  	_ =	shalt  }
0x49: {  	_ =	shalt  }
0x4a: {  	_ =	shalt  }
0x4b: {  	_ =	shalt  }
0x4c: {  	_ =	shalt  }
0x4d: {  	_ =	shalt  }
0x4e: {  	_ =	shalt  }
0x4f: {  	_ =	shalt  }
0x50: {  	_ =	shalt  }
0x51: {  	_ =	shalt  }
0x52: {  	_ =	shalt  }
0x53: {  	_ =	shalt  }
0x54: {  	_ =	shalt  }
0x55: {  	_ =	shalt  }
0x56: {  	_ =	shalt  }
0x57: {  	_ =	shalt  }
0x58: {  	_ =	shalt  }
0x59: {  	_ =	shalt  }
0x5a: {  	_ =	shalt  }
0x5b: {  	_ =	shalt  }
0x5c: {  	_ =	shalt  }
0x5d: {  	_ =	shalt  }
0x5e: {  	_ =	shalt  }
0x5f: {  	_ =	shalt  }
0x60: {  	_ =	shalt  }
0x61: {  	_ =	shalt  }
0x62: {  	_ =	shalt  }
0x63: {  	_ =	shalt  }
0x64: {  	_ =	shalt  }
0x65: {  	_ =	shalt  }
0x66: {  	_ =	shalt  }
0x67: {  	_ =	shalt  }
0x68: {  	_ =	shalt  }
0x69: {  	_ =	shalt  }
0x6a: {  	_ =	shalt  }
0x6b: {  	_ =	shalt  }
0x6c: {  	_ =	shalt  }
0x6d: {  	_ =	shalt  }
0x6e: {  	_ =	shalt  }
0x6f: {  	_ =	shalt  }
0x70: {  	_ =	shalt  }
0x71: {  	_ =	shalt  }
0x72: {  	_ =	shalt  }
0x73: {  	_ =	shalt  }
0x74: {  	_ =	shalt  }
0x75: {  	_ =	shalt  }
0x76: {  	_ =	shalt  }
0x77: {  	_ =	shalt  }
0x78: {  	_ =	shalt  }
0x79: {  	_ =	shalt  }
0x7a: {  	_ =	shalt  }
0x7b: {  	_ =	shalt  }
0x7c: {  	_ =	shalt  }
0x7d: {  	_ =	shalt  }
0x7e: {  	_ =	shalt  }
0x7f: {  	_ =	shalt  }
0x80: {  	_ =	shalt  }
0x81: {  	_ =	shalt  }
0x82: {  	_ =	shalt  }
0x83: {  	_ =	shalt  }
0x84: {  	_ =	shalt  }
0x85: {  	_ =	shalt  }
0x86: {  	_ =	shalt  }
0x87: {  	_ =	shalt  }
.Lfunc_end0:
.L_simem_size_0:
called_computation_lowered:
.L_overlay_start_0:
0x88: {  	s2 =	sld [smem:$0x3FD9]  }
0x89: {  	s3 =	sld [smem:$0x3FFE];
	_ =	sdelay $0x1  }
0x8a: {  	s1 =	srdreg.scid  }
0x8b: {  	s0 =	sand.u32 $0x1, s1  }
0x8c: {  	s16 =	sshll.u32 s0, $0xA;
	s2 =	sadd.s32 s3, s2  }
0x8d: {  	s2 =	sadd.s32 s2, s16  }
0x8e: {  	[smem:$0x3FC6] =	sst s2  }
0x8f: {  	_ = 	snop  }
0x90: {  	(tm) =	ssettm $0x1  }
0x91: {  	s17 =	sld [smem:$0x3FFB];
	_ =	sdelay $0x3  }
0x92: {  	_ =	strace s17  }
0x93: {  	s2 =	sld [smem:$0x3FFC];
	_ =	sdelay $0x3  }
0x94: {  	_ =	strace s2  }
0x95: {  	s2 =	sld [smem:$0x3FFD];
	_ =	sdelay $0x3  }
0x96: {  	_ =	strace s2  }
0x97: {  	_ =	strace $0x8FFFFFFF  }
0x98: {  	s18 =	sld [smem:$0x3FDB];
	_ =	sdelay $0x1  }
0x99: {  	s19 =	simm.s32 $_scs_section_size  }
0x9a: {  	s4 =	simm.s32 $_size__tile_overlayer_lowered;
	s5 =	simm.s32 $_tile_overlayer_lowered  }
0x9b: {  	s22 =	simm.s32 $0x1BFF;
	s21 =	sshll.u32 s5, $0x1;
	s2 =	sadd.s32 s19, s18  }
0x9c: {  	s6 =	simm.s32 $0x0;
	s20 =	sshll.u32 s4, $0x1;
	s4 =	sadd.s32 s21, s2  }
0x9d: {  	[timem:s6], [sflag:s22] =	dma.local [hbm:s4], s20  }
0x9e: {  	_ =	swait.ge [sflag:s22], s20  }
0x9f: {  	s3 =	ssub.s32 $0x0, s20;
	[sflag:s22] =	ssyncset.done $0x0  }
0xa0: {  	[sflag:s22] =	ssyncadd.s32 s3;
	_ =	sdelay $0x1  }
0xa1: {  	s23 =	simm.s32 $0x1B8B  }
0xa2: {  	_ =	swait.ge [sflag:s23], $0x1  }
0xa3: {  	[sflag:s23] =	ssyncset.done $0x0  }
0xa4: {  	s25 =	simm.s32 $0x1B8E;
	s24 =	sld [smem:$0x3FFE];
	[sflag:s23] =	ssyncadd.s32 $0xFFFFFFFF  }
0xa5: {  	s26 =	simm.s32 $execute0_lowered;
	[smem:$0x3FD2] =	sst s25  }
0xa6: {  	s4 =	sshll.u32 s26, $0x1;
	_ =	strace $0x80000046;
	[dreg:$0x1] =	wrdreg $0xFFFFFFFF  }
0xa7: {  	s28 =	simm.s32 $_size_execute0_lowered;
	s2 =	sadd.s32 s2, s4;
	[dreg:$0x0] =	wrdreg $0x0  }
0xa8: {  	s4 =	sshll.u32 s28, $0x1;
	[dreg:$0x2] =	wrdreg s2  }
0xa9: {  	[dreg:$0x3] =	wrdreg s4  }
0xaa: {  	[dreg:$0x4] =	wrdreg $0xC0  }
0xab: {  	_ =	task [dreg:s6], $0x5FFFF  }
0xac: {  	[dreg:$0x1] =	wrdreg $0xFFFFFFFF  }
0xad: {  	[dreg:$0x0] =	wrdreg $0x60  }
0xae: {  	[dreg:$0x2] =	wrdreg s24  }
0xaf: {  	[dreg:$0x3] =	wrdreg $0x9  }
0xb0: {  	_ =	task.clear_ibuf [dreg:s6], $0x4FFFF;
	_ =	strace $0x90000046  }
0xb1: {  	s29 =	simm.s32 $0x9;
	_ =	strace $0x80000048  }
0xb2: {  	_ =	swait.ge [sflag:s29], $0x1  }
0xb3: {  	[sflag:s29] =	ssyncadd.s32 $0xFFFFFFFF  }
0xb4: {  	_ =	strace $0x90000048  }
0xb5: {  	_ =	sfence  }
0xb6: {  	s30 =	sld [smem:$0x0];
	_ =	sdelay $0x2  }
0xb7: {  	s31 =	sshll.u32 s1, $0xD;
	s1 =	sshrl.u32 s1, $0x2  }
0xb8: {  	s3 =	sand.u32 $0x4000, s31;
	s1 =	sadd.s32 s1, s30  }
0xb9: {  	s0 =	sor.u32 s3, s0;
	s1 =	sshll.u32 s1, $0x11  }
0xba: {  	s0 =	sor.u32 s1, s0  }
0xbb: {  	s0 =	sadd.s32 $0x8F2B, s0  }
0xbc: {  	[sflag:s0] =	ssyncadd.remote.s32 $0x1  }
0xbd: {  	_ =	sfence.sel $0xFFFF  }
0xbe: {  	[dreg:$0x0] =	wrdreg $0xFFFFFFFF;
	(pc) =	sbr.abs _section_cstart, $3  }
0xbf: {  	[dreg:$0x1] =	wrdreg $0xFFFFFFFF  }
0xc0: {  	_ =	task.clear_ibuf [dreg:s6], $0x2FFFF;
	_ =	strace $0x9FFFFFFF  }
0xc1: {  	(tm) =	ssettm $0x7FFFFFFF  }
tec
execute0_lowered:
.L_overlay_start_1:
0x0: {  	(tag) =	ssettag $0x1  }
0x1: {  	s4 =	rddreg [dreg:$0x0]  }
0x2: {  	s0 =	rddreg [dreg:$0x1]  }
0x3: {  	s3 =	srdreg.scid;
	s1 =	stileid.u32;
	s2 =	simm.s32 $0x0  }
0x4: {  	s9 =	simm.s32 $0xA00;
	s10 =	simm.s32 $0x1E00;
	s11 =	simm.s32 $0x2800  }
0x5: {  	s12 =	simm.s32 $0x0;
	s7 =	sand.u32 $0x1, s3;
	s29 =	sshll.u32 s1, $0x1  }
0x6: {  	[smem:$0x7FF] =	sst s2;
	s3 =	sadd.s32 $0x200000, s4;
	s31 =	sshll.u32 s1, $0xA  }
0x7: {  	s5 =	sor.u32 s7, s29;
	_ =	strace $0x80000047;
	s8 =	ssub.s32 $0x2, s7  }
0x8: {  	s7 =	sshll.u32 s7, $0x9;
	s6 =	smul.u32 $0x140, s5;
	s5 =	sshll.u32 s5, $0x4  }
0x9: {  	s30 =	sshrl.u32 s8, $0x1;
	s7 =	sor.u32 s7, s31;
	s5 =	sadd.s32 s5, s4  }
0xa: {  	v0 =	vlaneseq.u32;
	s8 =	ssub.s32 s8, s30;
	s6 =	sadd.s32 s6, s4;
	s5 =	sadd.s32 $0x3F6800, s5  }
0xb: {  	v1 =	vimm.f32 $0.0e+00;
	v0 =	vmul.u32 $0x3E8, v0;
	s4 =	sadd.s32 $0x3F4000, s6;
	s6 =	smax.u32 s8, $0x1;
	s8 =	simm.s32 $0x1  }
.LBB2_1:
0xc: {  	[tilespmem:s2], [sflag:$0x1] =	stream.linear.gather [hbm4b:s4+s2], $0xA00, $0x38;
	[tilespmem:$0x2880] =	vst v63  }
0xd: {  	_ =	swait.ge [sflag:s8], $0xA00  }
0xe: {  	[sflag:s8] =	ssyncset.done $0x0  }
0xf: {  	s13 =	simm.s32 $0xFFFFFE00;
	[sflag:s8] =	ssyncadd.s32 $0xFFFFF600  }
0x10: {  	v2 =	vmov s7;
	v3 =	vld [tilespmem:s13+$0x200]  }
0x11: {  	v2 =	vmul.u32 $0x3E8, v2;
	v4 =	vld [tilespmem:s13+$0x400]  }
0x12: {  	s15 =	sadd.s32 $0x10, s7;
	v6 =	vld [tilespmem:s13+$0xA00]  }
0x13: {  	v5 =	vmov s15;
	v7 =	vbroadcast v2, $0x0;
	v8 =	vld [tilespmem:s13+$0x600]  }
0x14: {  	v2 =	vmul.u32 $0x3E8, v5  }
0x15: {  	v5 =	vadd.s32 v0, v7;
	v7 =	vld [tilespmem:s13+$0x800];
	vm0 =	vlt.s32 v3, $0x3E8;
	vm2 =	vlt.s32 v3, $0x3E7  }
0x16: {  	vm3 =	vlt.s32 v4, $0x3E8;
	vm4 =	vne.s32 v4, v3;
	vm5 =	vlt.s32 v4, $0x3E7  }
0x17: {  	vm6 =	vne.s32 v6, v3;
	vm7 =	vne.s32 v6, v4;
	vm1 =	vlt.s32 v6, $0x3E7  }
0x18: {  	vm12 =	vne.s32 v8, v3;
	vm13 =	vne.s32 v6, v8;
	vm9 =	vne.s32 v8, v4  }
0x19: {  	v10 =	vnsel vm2, $0x3E7, v3;
	vm2 =	vlt.s32 v6, $0x3E8;
	vm6 =	vmand vm6, vm7  }
0x1a: {  	vm8 =	vne.s32 v7, v3;
	vm14 =	vne.s32 v6, v7;
	vm10 =	vne.s32 v7, v4  }
0x1b: {  	vm15 =	vlt.s32 v7, $0x3E8;
	vm7 =	vmand vm12, vm9;
	vm12 =	vlt.s32 v8, $0x3E7  }
0x1c: {  	vm3 =	vmand vm3, vm4;
	v13 =	vnsel vm5, $0x3E7, v4;
	vm2 =	vmand vm6, vm2  }
0x1d: {  	v9 =	vnsel vm1, $0x3E7, v6;
	vm8 =	vmand vm8, vm10;
	vm2 =	vmand vm13, vm2  }
0x1e: {  	v12 =	vadd.s32 v5, v10;
	v10 =	vadd.s32 v5, v13;
	vm2 =	vmand vm14, vm2  }
0x1f: {  	vm6 =	vmand vm8, vm15;
	vm13 =	vne.s32 v7, v8;
	v3 =	vsel vm2, $0x3F800000, v1  }
0x20: {  	s14 =	simm.s32 $0xFFFFFE10;
	v6 =	vsel vm3, $0x3F800000, v1;
	vm15 =	vmand vm13, vm6;
	vm2 =	vlt.s32 v8, $0x3E8;
	[tilespmem:s13+$0x1E00] =	vst v3  }
0x21: {  	vm14 =	vlt.s32 v7, $0x3E7;
	v14 =	vsel vm15, $0x3F800000, v1;
	vm2 =	vmand vm7, vm2;
	v3 =	vld [tilespmem:s14+$0x200]  }
0x22: {  	s16 =	simm.s32 $0xFFFFF880;
	v8 =	vnsel vm12, $0x3E7, v8;
	v7 =	vnsel vm14, $0x3E7, v7;
	v11 =	vsel vm2, $0x3F800000, v1;
	v4 =	vld [tilespmem:s14+$0x400];
	[tilespmem:s13+$0x1C00] =	vst v14  }
.LBB2_2:
0x23: {  	p0 =	sne.s32 s16, $0xFFFFFFC0;
	v13 =	vld [tilespmem:s14+$0xA00];
	s15 =	sadd.s32 $0x10, s15;
	v8 =	vadd.s32 v5, v8;
	[tilespmem:s13+$0x1A00] =	vst v11;
	v7 =	vadd.s32 v5, v7;
	v9 =	vadd.s32 v5, v9  }
0x24: {  	v11 =	vbroadcast v2, $0x0;
	v5 =	vmov s15;
	[tilespmem:s13+$0xC00] =	vst v12;
	v12 =	vsel vm0, $0x3F800000, v1  }
0x25: {  	v2 =	vmul.u32 $0x3E8, v5;
	v14 =	vld [tilespmem:s14+$0x600];
	[tilespmem:s13+$0xE00] =	vst v10  }
0x26: {  	v5 =	vadd.s32 v0, v11;
	vm0 =	vlt.s32 v3, $0x3E8;
	vm5 =	vlt.s32 v3, $0x3E7;
	v10 =	vld [tilespmem:s14+$0x800];
	[tilespmem:s13+$0x1800] =	vst v6  }
0x27: {  	vm3 =	vlt.s32 v4, $0x3E8;
	vm4 =	vne.s32 v4, v3;
	vm2 =	vlt.s32 v4, $0x3E7;
	[tilespmem:s13+$0x1000] =	vst v8  }
0x28: {  	vm6 =	vne.s32 v13, v3;
	vm7 =	vne.s32 v13, v4;
	vm1 =	vlt.s32 v13, $0x3E7;
	[tilespmem:s13+$0x1200] =	vst v7  }
0x29: {  	v6 =	vnsel vm5, $0x3E7, v3;
	vm5 =	vlt.s32 v13, $0x3E8;
	vm6 =	vmand vm6, vm7;
	[tilespmem:s13+$0x1400] =	vst v9  }
0x2a: {  	vm7 =	vne.s32 v14, v3;
	vm5 =	vmand vm6, vm5;
	vm6 =	vne.s32 v13, v14;
	[tilespmem:s13+$0x1600] =	vst v12;
	s13 =	smov.u32 s14  }
0x2b: {  	vm8 =	vne.s32 v10, v3;
	vm5 =	vmand vm6, vm5;
	vm6 =	vne.s32 v13, v10  }
0x2c: {  	vm9 =	vne.s32 v14, v4;
	vm10 =	vne.s32 v10, v4;
	vm5 =	vmand vm6, vm5  }
0x2d: {  	vm6 =	vlt.s32 v10, $0x3E8;
	vm8 =	vmand vm8, vm10;
	v3 =	vsel vm5, $0x3F800000, v1  }
0x2e: {  	vm7 =	vmand vm7, vm9;
	vm5 =	vlt.s32 v14, $0x3E8;
	vm6 =	vmand vm8, vm6;
	[tilespmem:s13+$0x1E00] =	vst v3  }
.Ltmp0:
0x2f: {  	vm9 =	vne.s32 v10, v14;
	vm10 =	vlt.s32 v10, $0x3E7;
	vm8 =	vlt.s32 v14, $0x3E7;
	(pc) =	sbr.rel @p0 .LBB2_2-.Ltmp0, $4  }
0x30: {  	vm3 =	vmand vm3, vm4;
	vm4 =	vmand vm7, vm5;
	vm5 =	vmand vm9, vm6  }
0x31: {  	v15 =	vnsel vm2, $0x3E7, v4;
	s14 =	sshra.s32 s16, $0x2;
	v7 =	vnsel vm10, $0x3E7, v10;
	v8 =	vnsel vm8, $0x3E7, v14  }
0x32: {  	v9 =	vnsel vm1, $0x3E7, v13;
	v11 =	vsel vm4, $0x3F800000, v1;
	v14 =	vsel vm5, $0x3F800000, v1;
	v3 =	vld [tilespmem:s14+$0x200]  }
0x33: {  	s16 =	sadd.s32 $0x40, s16;
	v12 =	vadd.s32 v5, v6;
	v6 =	vsel vm3, $0x3F800000, v1;
	v10 =	vadd.s32 v5, v15;
	v4 =	vld [tilespmem:s14+$0x400];
	[tilespmem:s13+$0x1C00] =	vst v14  }
0x34: {  	v13 =	vld [tilespmem:s14+$0xA00];
	[tilespmem:s13+$0x1A00] =	vst v11  }
0x35: {  	[tilespmem:s13+$0xC00] =	vst v12  }
0x36: {  	v11 =	vld [tilespmem:s14+$0x600]  }
0x37: {  	v8 =	vadd.s32 v5, v8;
	v2 =	vbroadcast v2, $0x0;
	[tilespmem:s13+$0xE00] =	vst v10  }
0x38: {  	v7 =	vadd.s32 v5, v7;
	v5 =	vadd.s32 v5, v9;
	v63 =	vsel vm0, $0x3F800000, v1;
	v10 =	vld [tilespmem:s14+$0x800]  }
0x39: {  	v2 =	vadd.s32 v0, v2;
	vm10 =	vne.s32 v13, v3;
	vm1 =	vne.s32 v13, v4  }
0x3a: {  	vm9 =	vlt.s32 v4, $0x3E8;
	vm2 =	vlt.s32 v13, $0x3E8;
	vm0 =	vmand vm10, vm1  }
0x3b: {  	vm11 =	vne.s32 v13, v11;
	vm3 =	vne.s32 v11, v3;
	vm5 =	vne.s32 v11, v4  }
0x3c: {  	[tilespmem:s13+$0x1800] =	vst v6;
	vm8 =	vlt.s32 v11, $0x3E8;
	vm10 =	vlt.s32 v4, $0x3E7;
	vm0 =	vmand vm0, vm2  }
0x3d: {  	[tilespmem:s13+$0x1000] =	vst v8;
	vm4 =	vne.s32 v10, v3;
	vm12 =	vne.s32 v13, v10;
	vm6 =	vne.s32 v10, v4  }
0x3e: {  	[tilespmem:s13+$0x1200] =	vst v7;
	vm13 =	vlt.s32 v10, $0x3E8;
	vm15 =	vne.s32 v10, v11;
	vm3 =	vmand vm3, vm5  }
0x3f: {  	[tilespmem:s13+$0x1400] =	vst v5;
	vm0 =	vmand vm11, vm0;
	vm4 =	vmand vm4, vm6;
	vm3 =	vmand vm3, vm8  }
0x40: {  	[tilespmem:s13+$0x1600] =	vst v63;
	vm11 =	vne.s32 v4, v3;
	v4 =	vnsel vm10, $0x3E7, v4;
	v7 =	vsel vm3, $0x3F800000, v1  }
0x41: {  	vm0 =	vmand vm12, vm0;
	vm14 =	vmand vm4, vm13;
	v4 =	vadd.s32 v2, v4;
	[tilespmem:s14+$0x1A00] =	vst v7  }
0x42: {  	vm13 =	vlt.s32 v10, $0x3E7;
	v5 =	vsel vm0, $0x3F800000, v1;
	vm0 =	vmand vm15, vm14;
	[tilespmem:s14+$0xE00] =	vst v4  }
0x43: {  	v4 =	vnsel vm13, $0x3E7, v10;
	[tilespmem:s14+$0x1E00] =	vst v5;
	v5 =	vsel vm0, $0x3F800000, v1  }
0x44: {  	vm1 =	vlt.s32 v3, $0x3E7;
	vm15 =	vlt.s32 v3, $0x3E8;
	v4 =	vadd.s32 v2, v4;
	[tilespmem:s14+$0x1C00] =	vst v5  }
0x45: {  	v6 =	vnsel vm1, $0x3E7, v3;
	v3 =	vsel vm15, $0x3F800000, v1;
	[tilespmem:s14+$0x1200] =	vst v4  }
0x46: {  	vm12 =	vlt.s32 v11, $0x3E7;
	vm1 =	vmand vm9, vm11;
	v5 =	vadd.s32 v2, v6;
	[tilespmem:s14+$0x1600] =	vst v3  }
0x47: {  	vm14 =	vlt.s32 v13, $0x3E7;
	v6 =	vsel vm1, $0x3F800000, v1;
	[tilespmem:s14+$0xC00] =	vst v5;
	v5 =	vnsel vm12, $0x3E7, v11  }
0x48: {  	[tilespmem:s14+$0x1800] =	vst v6;
	v6 =	vnsel vm14, $0x3E7, v13;
	v5 =	vadd.s32 v2, v5  }
0x49: {  	v2 =	vadd.s32 v2, v6;
	[tilespmem:s14+$0x1000] =	vst v5  }
0x4a: {  	[tilespmem:s14+$0x1400] =	vst v2  }
0x4b: {  	[tilespmem:s10], [sflag:$0x1] =	stream.indirect.gather [hbm4b:s3+s9], $0x1, s9, s9, $0xb8;
	[tilespmem:$0x2880] =	vst v63  }
0x4c: {  	_ =	swait.ge [sflag:s8], $0xA00  }
0x4d: {  	[sflag:s8] =	ssyncset.done $0x0  }
0x4e: {  	s31 =	simm.s32 $0x0;
	[sflag:s8] =	ssyncadd.s32 $0xFFFFF600  }
0x4f: {  	v3 =	vld [tilespmem:s31+$0x1E00]  }
0x50: {  	s13 =	simm.s32 $0x40;
	v2 =	vimm.f32 $0.0e+00;
	v4 =	vld [tilespmem:s31+$0x1400]  }
.LBB2_4:
0x51: {  	_ = 	snop  }
0x52: {  	p0 =	sne.s32 s13, $0x27C0  }
.Ltmp1:
0x53: {  	_ = 	snop;
	(pc) =	sbr.rel @p0 .LBB2_4-.Ltmp1, $4  }
0x54: {  	_ = 	snop  }
0x55: {  	s14 =	sshra.s32 s13, $0x2;
	v5 =	vmul.f32 v4, v3  }
0x56: {  	v3 =	vld [tilespmem:s14+$0x1E00]  }
0x57: {  	s13 =	sadd.s32 $0x40, s13;
	v4 =	vld [tilespmem:s14+$0x1400];
	v2 =	vadd.f32 v5, v2  }
0x58: {  	_ =	sdelay $0x3  }
0x59: {  	v3 =	vmul.f32 v4, v3;
	_ =	sdelay $0x1  }
0x5a: {  	s12 =	sadd.s32 $0x1, s12;
	v2 =	vadd.f32 v3, v2  }
0x5b: {  	p0 =	sne.s32 s12, s6  }
.Ltmp2:
0x5c: {  	[tilespmem:$0x2800] =	vst v2;
	(pc) =	sbr.rel @p0 .LBB2_1-.Ltmp2, $4  }
0x5d: {  	[hbm4b:s5+s2] =	stream.linear.scatter [tilespmem:s11], [sflag:$0x1], $0x80, $0x38;
	[tilespmem:$0x2880] =	vst v63  }
0x5e: {  	_ =	swait.ge [sflag:s8], $0x80  }
0x5f: {  	[sflag:s8] =	ssyncset.done $0x0  }
0x60: {  	[sflag:s8] =	ssyncadd.s32 $0xFFFFFF80  }
0x61: {  	_ =	sfence.sel $0x180000  }
0x62: {  	[bflag:$0x0] =	sbarrier.arrive $0xFFFF  }
0x63: {  	p0 =	sne.s32 s1, $0x0;
	_ =	strace $0x90000047  }
0x64: {  	s0 =	sadd.s32 @!p0 $0x100000, s0;
	[bflag:$0x2] =	sbarrier.arrive $0xFFFF  }
0x65: {  	[sflag:s0] =	ssyncadd.tile.s32 @!p0 $0x1;
	_ =	shalt  }
.Lfunc_end2:
_tile_overlayer_lowered:
.L_overlay_start_2:
0x66: {  	(tag) =	ssettag $0x2  }
0x67: {  	s0 =	rddreg [dreg:$0x0];
	s2 =	stileid.u32  }
0x68: {  	s1 =	rddreg [dreg:$0x1];
	p0 =	sne.s32 s2, $0x0  }
0x69: {  	s3 =	rddreg [dreg:$0x2];
	[bflag:$0x3] =	sbarrier.arrive $0xFFFF;
	s2 =	simm.s32 @!p0 $0x1C01  }
0x6a: {  	[timem:s3], [sflag:s2] =	dma.local @!p0 [hbm:s0], s1  }
0x6b: {  	s0 =	simm.s32 @!p0 $0x1  }
0x6c: {  	_ =	swait.ge @!p0 [sflag:s0], s1  }
0x6d: {  	s1 =	ssub.s32 @!p0 $0x0, s1;
	[sflag:s0] =	ssyncset.done @!p0 $0x0  }
0x6e: {  	[sflag:s0] =	ssyncadd.s32 @!p0 s1  }
0x6f: {  	[bflag:$0x3] =	sbarrier.arrive $0xFFFF  }
0x70: {  	_ =	shalt  }

</sc_bundles>
